<compile_context>
chip_gen: v7x
topology: tpu7x:2x2x1
jax: 0.10.2.dev20260603
libtpu: 0.0.44.dev20260713+nightly
codegen_flags: <defaults>
</compile_context>

<pallas_src>
import functools

import jax
import jax.numpy as jnp
from jax import lax
from jax.experimental import pallas as pl
from jax.experimental.pallas import tpu as pltpu
from jax.experimental.pallas import tpu_sc as plsc

T = 2048
D = 1024
F = 768
E = 64
BLK = 128
NB = 80
NBP = 128
NC = 2
NS = 16
NW = NC * NS
TPW = T // NW


def _router_body(x_ref, wg_ref, pos_ref, be_ref, bv_ref, bout_ref):
    x = x_ref[...]
    wg = wg_ref[...]
    logits = lax.dot_general(
        x, wg, (((1,), (1,)), ((), ())), preferred_element_type=jnp.float32
    )

    eid = jnp.argmax(logits, axis=1).astype(jnp.int32).reshape(T, 1)
    oh = (lax.broadcasted_iota(jnp.int32, (T, E), 1) == eid).astype(jnp.float32)
    cum = oh
    k = 1
    while k < T:
        cum = cum + jnp.concatenate(
            [jnp.zeros((k, E), jnp.float32), cum[: T - k]], axis=0
        )
        k *= 2
    counts = cum[T - 1 : T, :]

    nb = jnp.ceil(counts / BLK)
    triu = (
        lax.broadcasted_iota(jnp.int32, (E, E), 0)
        <= lax.broadcasted_iota(jnp.int32, (E, E), 1)
    ).astype(jnp.float32)
    cuminc = jnp.dot(nb, triu, preferred_element_type=jnp.float32)
    poff = (cuminc - nb) * BLK

    bi = lax.broadcasted_iota(jnp.int32, (NBP, E), 0).astype(jnp.float32)
    be = jnp.sum((bi >= cuminc).astype(jnp.float32), axis=1)
    be = jnp.minimum(be, float(E - 1)).reshape(1, NBP)

    ntot = cuminc[:, E - 1 :]
    brow = bi[:NBP, :1].reshape(1, NBP)
    valid = brow < ntot
    bv_ref[...] = valid.astype(jnp.int32)
    be_last = jnp.sum(jnp.where(brow == ntot - 1.0, be, 0.0), axis=1, keepdims=True)
    be_ref[...] = jnp.where(valid, be, be_last).astype(jnp.int32)
    bout_ref[...] = jnp.where(valid, brow, ntot).astype(jnp.int32)

    pos = jnp.sum((cum - oh + poff) * oh, axis=1, keepdims=True)
    pos_ref[...] = pos.astype(jnp.int32)


_router_call = pl.pallas_call(
    _router_body,
    out_shape=[
        jax.ShapeDtypeStruct((T, 1), jnp.int32),
        jax.ShapeDtypeStruct((1, NBP), jnp.int32),
        jax.ShapeDtypeStruct((1, NBP), jnp.int32),
        jax.ShapeDtypeStruct((1, NBP), jnp.int32),
    ],
)


def _mlp_body(be_ref, bv_ref, bout_ref, pos_ref, x_ref, wgu_ref, wd_ref, ys_ref):
    i = pl.program_id(0)

    @pl.when(bv_ref[i] > 0)
    def _():
        pos_row = pos_ref[...]
        sl = lax.broadcasted_iota(jnp.int32, (BLK, T), 0) + i * BLK
        pb = (sl == pos_row).astype(jnp.float32)
        xg = lax.dot_general(
            pb, x_ref[...], (((1,), (0,)), ((), ())),
            preferred_element_type=jnp.float32,
        )
        gu = jnp.dot(xg, wgu_ref[0], preferred_element_type=jnp.float32)
        gate = gu[:, :F]
        up = gu[:, F:]
        h = gate * lax.logistic(gate) * up
        ys_ref[...] = jnp.dot(h, wd_ref[0], preferred_element_type=jnp.float32)


_mlp_call = pl.pallas_call(
    _mlp_body,
    grid_spec=pltpu.PrefetchScalarGridSpec(
        num_scalar_prefetch=3,
        grid=(NB,),
        in_specs=[
            pl.BlockSpec((1, T), lambda i, be, bv, bout: (0, 0)),
            pl.BlockSpec((T, D), lambda i, be, bv, bout: (0, 0)),
            pl.BlockSpec((1, D, 2 * F), lambda i, be, bv, bout: (be[i], 0, 0)),
            pl.BlockSpec((1, F, D), lambda i, be, bv, bout: (be[i], 0, 0)),
        ],
        out_specs=pl.BlockSpec((BLK, D), lambda i, be, bv, bout: (bout[i], 0)),
    ),
    out_shape=jax.ShapeDtypeStruct(((NB + 1) * BLK, D), jnp.float32),
)

@functools.lru_cache(maxsize=None)
def _sc_combine_kernel():
    mesh = plsc.VectorSubcoreMesh(
        core_axis_name="c", subcore_axis_name="s", num_cores=NC, num_subcores=NS
    )

    @functools.partial(
        pl.kernel,
        out_type=jax.ShapeDtypeStruct((T, D), jnp.float32),
        mesh=mesh,
        scratch_types=[
            pltpu.VMEM((TPW,), jnp.int32),
            pltpu.VMEM((TPW, D), jnp.float32),
            pltpu.SemaphoreType.DMA,
        ],
    )
    def sc_combine(ys_hbm, pos_hbm, out_hbm, idx_v, rows_v, sem):
        wid = lax.axis_index("s") * NC + lax.axis_index("c")
        base = wid * TPW
        pltpu.sync_copy(pos_hbm.at[pl.ds(base, TPW)], idx_v)
        pltpu.async_copy(ys_hbm.at[idx_v], rows_v, sem).wait()
        pltpu.sync_copy(rows_v, out_hbm.at[pl.ds(base, TPW)])

    return sc_combine


@jax.jit
def kernel(hidden_states, W_gate, W_gu, W_down):
    pos2d, be2d, bv2d, bout2d = _router_call(hidden_states, W_gate)
    ys = _mlp_call(
        be2d.reshape(NBP), bv2d.reshape(NBP), bout2d.reshape(NBP),
        pos2d.reshape(1, T), hidden_states, W_gu, W_down,
    )
    return _sc_combine_kernel()(ys, pos2d.reshape(T))

# --- scband reference (transcript-rebuilt; emitter-appended) ---
"""Pipeline reference for scband-qwen3-moe-sparse-moe-block-76295799046237 (READ-ONLY COPY).

The authoritative reference and input builder live on the scoring server;
editing this copy changes nothing except your own understanding.
"""

import jax, jax.numpy as jnp
import numpy as np

T = 2048
D_MODEL = 1024
D_FF = 768
N_EXPERTS = 64
TOP_K = 1
NORM_TOPK_PROB = True


def setup_inputs(seed: int = 0) -> dict:
    key = jax.random.key(seed)
    k1, k2, k3, k4 = jax.random.split(key, 4)
    hidden_states = jax.random.normal(k1, (T, D_MODEL), dtype=jnp.float32)
    # gate: nn.Linear(hidden_size, num_experts, bias=False) -> weight [E, d_model]
    W_gate = jax.random.normal(k2, (N_EXPERTS, D_MODEL), dtype=jnp.float32) * 0.02
    # per-expert merged gate_up projection: [E, d_model, 2*d_ff] (x @ W form)
    W_gu = jax.random.normal(k3, (N_EXPERTS, D_MODEL, 2 * D_FF), dtype=jnp.float32) * 0.02
    # per-expert down projection: [E, d_ff, d_model]
    W_down = jax.random.normal(k4, (N_EXPERTS, D_FF, D_MODEL), dtype=jnp.float32) * 0.02
    return {"hidden_states": hidden_states, "W_gate": W_gate, "W_gu": W_gu, "W_down": W_down}


def reference(hidden_states, W_gate, W_gu, W_down):
    seq_len, hidden_dim = hidden_states.shape
    # router
    router_logits = hidden_states @ W_gate.T  # [T, E]
    routing_weights = jax.nn.softmax(router_logits.astype(jnp.float32), axis=1)
    routing_weights, selected_experts = jax.lax.top_k(routing_weights, TOP_K)  # [T, k]
    if NORM_TOPK_PROB:
        routing_weights = routing_weights / jnp.sum(routing_weights, axis=-1, keepdims=True)
    routing_weights = routing_weights.astype(hidden_states.dtype)
    # dense combine weights [T, E]: scatter-add of top-k routing weights
    combine = jnp.zeros((seq_len, N_EXPERTS), dtype=hidden_states.dtype)
    combine = combine.at[jnp.arange(seq_len)[:, None], selected_experts].add(routing_weights)
    combine_T = combine.T  # [E, T]

    def body(acc, xs):
        Wgu_e, Wd_e, cw_e = xs  # [d, 2f], [f, d], [T]
        gate_up = hidden_states @ Wgu_e  # [T, 2f]
        gate, up = jnp.split(gate_up, 2, axis=-1)
        h = jax.nn.silu(gate) * up  # SiluAndMul
        out_e = h @ Wd_e  # [T, d]
        acc = acc + out_e * cw_e[:, None]
        return acc, None

    final_hidden_states, _ = jax.lax.scan(
        body, jnp.zeros_like(hidden_states), (W_gu, W_down, combine_T)
    )
    return final_hidden_states

if __name__ == "__main__":
    import jax
    _d = setup_inputs()
    print(jax.jit(kernel)(*tuple(_d.values())))

</pallas_src>

<mosaic_0001>
#map = affine_map<(d0, d1) -> (0, 0)>
#map1 = affine_map<(d0, d1) -> (0)>
module attributes {stable_mosaic.version = 14 : i64} {
  func.func @sc_combine(%arg0: i32, %arg1: i32, %arg2: memref<10368x1024xf32, #tpu.memory_space<hbm>>, %arg3: memref<2048xi32, #tpu.memory_space<hbm>>, %arg4: memref<2048x1024xf32, #tpu.memory_space<hbm>>, %arg5: memref<64xi32, #tpu.memory_space<vmem>>, %arg6: memref<64x1024xf32, #tpu.memory_space<vmem>>, %arg7: memref<!tpu.dma_semaphore, #tpu.memory_space<semaphore_mem>>) attributes {dimension_semantics = [#tpu.dimension_semantics<core_parallel>, #tpu.dimension_semantics<subcore_parallel>], iteration_bounds = array<i64: 2, 16>, scalar_prefetch = 0 : i64, scratch_operands = 3 : i64, tpu.core_type = #tpu.core_type<sc_vector_subcore>, window_params = [{transform_indices = #map}, {transform_indices = #map1}, {transform_indices = #map}]} {
    %mul3A = arith.constant 2 : i32
    %mul3A_0 = arith.muli %arg1, %mul3A : i32
    %add3A = arith.addi %mul3A_0, %arg0 : i32
    %mul3A_1 = arith.constant 64 : i32
    %mul3A_2 = arith.muli %add3A, %mul3A_1 : i32
    "tpu.region"() ({
      %run_scoped3A = tpu.sem_alloc : memref<!tpu.dma_semaphore, #tpu.memory_space<semaphore_mem>>
      %dma_start3A_7 = tpu.memref_slice %arg3[%mul3A_2] : memref<2048xi32, #tpu.memory_space<hbm>> -> memref<64xi32, #tpu.memory_space<hbm>>
      %dma_start3A_8 = tpu.memref_slice %arg3[%mul3A_2] : memref<2048xi32, #tpu.memory_space<hbm>> -> memref<64xi32, #tpu.memory_space<hbm>>
      tpu.enqueue_dma source(%dma_start3A_8 : memref<64xi32, #tpu.memory_space<hbm>>) target(%arg5 : memref<64xi32, #tpu.memory_space<vmem>>) target_semaphore(%run_scoped3A : memref<!tpu.dma_semaphore, #tpu.memory_space<semaphore_mem>>)
      %dma_wait3A_9 = tpu.memref_slice %arg3[%mul3A_2] : memref<2048xi32, #tpu.memory_space<hbm>> -> memref<64xi32, #tpu.memory_space<hbm>>
      %dma_wait3A_10 = tpu.memref_slice %arg3[%mul3A_2] : memref<2048xi32, #tpu.memory_space<hbm>> -> memref<64xi32, #tpu.memory_space<hbm>>
      tpu.wait_dma2 semaphore(%run_scoped3A : memref<!tpu.dma_semaphore, #tpu.memory_space<semaphore_mem>>) src(%dma_wait3A_10 : memref<64xi32, #tpu.memory_space<hbm>>) dst(%arg5 : memref<64xi32, #tpu.memory_space<vmem>>)
      tpu.yield
    }) : () -> ()
    %dma_start3A = arith.constant 0 : i32
    %dma_start3A_3 = arith.constant 0 : i32
    %dma_start3A_4 = tpu.memref_slice %arg2[%dma_start3A, %dma_start3A_3] : memref<10368x1024xf32, #tpu.memory_space<hbm>> -> memref<10368x1024xf32, #tpu.memory_space<hbm>>
    tpu.enqueue_indirect_dma source(%dma_start3A_4 : memref<10368x1024xf32, #tpu.memory_space<hbm>>) target(%arg6 : memref<64x1024xf32, #tpu.memory_space<vmem>>) offsets(%arg5 : memref<64xi32, #tpu.memory_space<vmem>>) semaphore(%arg7 : memref<!tpu.dma_semaphore, #tpu.memory_space<semaphore_mem>>)
    %dma_wait3A = arith.constant 0 : i32
    %dma_wait3A_5 = arith.constant 0 : i32
    %dma_wait3A_6 = tpu.memref_slice %arg2[%dma_wait3A, %dma_wait3A_5] : memref<10368x1024xf32, #tpu.memory_space<hbm>> -> memref<10368x1024xf32, #tpu.memory_space<hbm>>
    tpu.wait_indirect_dma semaphore(%arg7 : memref<!tpu.dma_semaphore, #tpu.memory_space<semaphore_mem>>) src(%dma_wait3A_6 : memref<10368x1024xf32, #tpu.memory_space<hbm>>) dst(%arg6 : memref<64x1024xf32, #tpu.memory_space<vmem>>)
    "tpu.region"() ({
      %run_scoped3A = tpu.sem_alloc : memref<!tpu.dma_semaphore, #tpu.memory_space<semaphore_mem>>
      %dma_start3A_7 = arith.constant 0 : i32
      %dma_start3A_8 = tpu.memref_slice %arg4[%mul3A_2, %dma_start3A_7] : memref<2048x1024xf32, #tpu.memory_space<hbm>> -> memref<64x1024xf32, #tpu.memory_space<hbm>>
      %dma_start3A_9 = arith.constant 0 : i32
      %dma_start3A_10 = tpu.memref_slice %arg4[%mul3A_2, %dma_start3A_9] : memref<2048x1024xf32, #tpu.memory_space<hbm>> -> memref<64x1024xf32, #tpu.memory_space<hbm>>
      tpu.enqueue_dma source(%arg6 : memref<64x1024xf32, #tpu.memory_space<vmem>>) target(%dma_start3A_10 : memref<64x1024xf32, #tpu.memory_space<hbm>>) target_semaphore(%run_scoped3A : memref<!tpu.dma_semaphore, #tpu.memory_space<semaphore_mem>>)
      %dma_wait3A_11 = arith.constant 0 : i32
      %dma_wait3A_12 = tpu.memref_slice %arg4[%mul3A_2, %dma_wait3A_11] : memref<2048x1024xf32, #tpu.memory_space<hbm>> -> memref<64x1024xf32, #tpu.memory_space<hbm>>
      %dma_wait3A_13 = arith.constant 0 : i32
      %dma_wait3A_14 = tpu.memref_slice %arg4[%mul3A_2, %dma_wait3A_13] : memref<2048x1024xf32, #tpu.memory_space<hbm>> -> memref<64x1024xf32, #tpu.memory_space<hbm>>
      tpu.wait_dma2 semaphore(%run_scoped3A : memref<!tpu.dma_semaphore, #tpu.memory_space<semaphore_mem>>) src(%arg6 : memref<64x1024xf32, #tpu.memory_space<vmem>>) dst(%dma_wait3A_14 : memref<64x1024xf32, #tpu.memory_space<hbm>>)
      tpu.yield
    }) : () -> ()
    return
  }
}

module attributes {stable_mosaic.version = 14 : i64} {
  func.func @_mlp_body(%arg0: i32, %arg1: memref<128xi32, #tpu.memory_space<smem>>, %arg2: memref<128xi32, #tpu.memory_space<smem>>, %arg3: memref<128xi32, #tpu.memory_space<smem>>, %arg4: memref<1x2048xi32, #tpu.memory_space<vmem>>, %arg5: memref<2048x1024xf32, #tpu.memory_space<vmem>>, %arg6: memref<1x1024x1536xf32, #tpu.memory_space<vmem>>, %arg7: memref<1x768x1024xf32, #tpu.memory_space<vmem>>, %arg8: memref<128x1024xf32, #tpu.memory_space<vmem>>) attributes {dimension_semantics = [#tpu.dimension_semantics<arbitrary>], iteration_bounds = array<i64: 80>, scalar_prefetch = 3 : i64, scratch_operands = 0 : i64, tpu.core_type = #tpu.core_type<tc>, window_params = [{pipeline_mode = #tpu.pipeline_mode<synchronous>, transform_indices = @transform_0, window_bounds = array<i64: 1, 2048>}, {pipeline_mode = #tpu.pipeline_mode<synchronous>, transform_indices = @transform_1, window_bounds = array<i64: 2048, 1024>}, {transform_indices = @transform_2, window_bounds = array<i64: 1, 1024, 1536>}, {transform_indices = @transform_3, window_bounds = array<i64: 1, 768, 1024>}, {transform_indices = @transform_4, window_bounds = array<i64: 128, 1024>}]} {
    %get3A = arith.index_cast %arg0 : i32 to index
    %get3A_0 = memref.load %arg2[%get3A] : memref<128xi32, #tpu.memory_space<smem>>
    %gt3A = arith.constant 0 : i32
    %gt3A_1 = arith.cmpi sgt, %get3A_0, %gt3A : i32
    %convert_element_type3A = arith.extui %gt3A_1 : i1 to i32
    %cond3A = arith.constant 0 : i32
    %cond3A_2 = arith.cmpi ne, %convert_element_type3A, %cond3A : i32
    scf.if %cond3A_2 {
      %get3A_3 = arith.constant 0 : index
      %get3A_4 = arith.constant 0 : index
      %get3A_5 = vector.load %arg4[%get3A_3, %get3A_4] : memref<1x2048xi32, #tpu.memory_space<vmem>>, vector<1x2048xi32>
      %iota3A = tpu.iota {dimensions = array<i32: 0>} : vector<128x2048xi32>
      %mul3A = arith.constant 128 : i32
      %mul3A_6 = arith.muli %arg0, %mul3A : i32
      %add3A = vector.broadcast %mul3A_6 : i32 to vector<128x2048xi32>
      %add3A_7 = arith.addi %iota3A, %add3A : vector<128x2048xi32>
      %eq3A = vector.broadcast %get3A_5 : vector<1x2048xi32> to vector<128x2048xi32>
      %eq3A_8 = arith.cmpi eq, %add3A_7, %eq3A : vector<128x2048xi32>
      %convert_element_type3A_9 = arith.extui %eq3A_8 : vector<128x2048xi1> to vector<128x2048xi32>
      %convert_element_type3A_10 = arith.sitofp %convert_element_type3A_9 : vector<128x2048xi32> to vector<128x2048xf32>
      %get3A_11 = arith.constant 0 : index
      %get3A_12 = arith.constant 0 : index
      %get3A_13 = vector.load %arg5[%get3A_11, %get3A_12] : memref<2048x1024xf32, #tpu.memory_space<vmem>>, vector<2048x1024xf32>
      %dot_general3A = arith.constant dense<0.000000e+00> : vector<128x1024xf32>
      %dot_general3A_14 = tpu.matmul %convert_element_type3A_10, %get3A_13, %dot_general3A {dimension_numbers = #tpu.dot_dimension_numbers<[1], [0], [0], [1], [0, 0, 1, 1], [], []>, transpose_lhs_hint = false} : vector<128x2048xf32>, vector<2048x1024xf32>, vector<128x1024xf32> -> vector<128x1024xf32>
      %get3A_15 = arith.constant 0 : index
      %get3A_16 = arith.constant 0 : index
      %get3A_17 = arith.constant 0 : index
      %get3A_18 = vector.load %arg6[%get3A_15, %get3A_16, %get3A_17] : memref<1x1024x1536xf32, #tpu.memory_space<vmem>>, vector<1x1024x1536xf32>
      %get3A_19 = vector.shape_cast %get3A_18 : vector<1x1024x1536xf32> to vector<1024x1536xf32>
      %dot_general3A_20 = arith.constant dense<0.000000e+00> : vector<128x1536xf32>
      %dot_general3A_21 = tpu.matmul %dot_general3A_14, %get3A_19, %dot_general3A_20 {dimension_numbers = #tpu.dot_dimension_numbers<[1], [0], [0], [1], [0, 0, 1, 1], [], []>, transpose_lhs_hint = false} : vector<128x1024xf32>, vector<1024x1536xf32>, vector<128x1536xf32> -> vector<128x1536xf32>
      %slice3A = vector.extract_strided_slice %dot_general3A_21 {offsets = [0, 0], sizes = [128, 768], strides = [1, 1]} : vector<128x1536xf32> to vector<128x768xf32>
      %slice3A_22 = vector.extract_strided_slice %dot_general3A_21 {offsets = [0, 768], sizes = [128, 768], strides = [1, 1]} : vector<128x1536xf32> to vector<128x768xf32>
      %logistic3A = arith.negf %slice3A : vector<128x768xf32>
      %logistic3A_23 = math.exp %logistic3A : vector<128x768xf32>
      %logistic3A_24 = arith.constant 1.000000e+00 : f32
      %logistic3A_25 = vector.broadcast %logistic3A_24 : f32 to vector<128x768xf32>
      %logistic3A_26 = arith.addf %logistic3A_25, %logistic3A_23 : vector<128x768xf32>
      %logistic3A_27 = arith.divf %logistic3A_25, %logistic3A_26 : vector<128x768xf32>
      %mul3A_28 = arith.mulf %slice3A, %logistic3A_27 : vector<128x768xf32>
      %mul3A_29 = arith.mulf %mul3A_28, %slice3A_22 : vector<128x768xf32>
      %get3A_30 = arith.constant 0 : index
      %get3A_31 = arith.constant 0 : index
      %get3A_32 = arith.constant 0 : index
      %get3A_33 = vector.load %arg7[%get3A_30, %get3A_31, %get3A_32] : memref<1x768x1024xf32, #tpu.memory_space<vmem>>, vector<1x768x1024xf32>
      %get3A_34 = vector.shape_cast %get3A_33 : vector<1x768x1024xf32> to vector<768x1024xf32>
      %dot_general3A_35 = arith.constant dense<0.000000e+00> : vector<128x1024xf32>
      %dot_general3A_36 = tpu.matmul %mul3A_29, %get3A_34, %dot_general3A_35 {dimension_numbers = #tpu.dot_dimension_numbers<[1], [0], [0], [1], [0, 0, 1, 1], [], []>, transpose_lhs_hint = false} : vector<128x768xf32>, vector<768x1024xf32>, vector<128x1024xf32> -> vector<128x1024xf32>
      %swap3A = arith.constant 0 : index
      %swap3A_37 = arith.constant 0 : index
      %swap3A_38 = vector.load %arg8[%swap3A, %swap3A_37] : memref<128x1024xf32, #tpu.memory_space<vmem>>, vector<128x1024xf32>
      tpu.vector_store %arg8[%swap3A, %swap3A_37], %dot_general3A_36 {strides = array<i32>} : memref<128x1024xf32, #tpu.memory_space<vmem>>, vector<128x1024xf32>,
    } else {
    }
    return
  }
  func.func @transform_0(%arg0: i32, %arg1: memref<128xi32, #tpu.memory_space<smem>>, %arg2: memref<128xi32, #tpu.memory_space<smem>>, %arg3: memref<128xi32, #tpu.memory_space<smem>>) -> (i32, i32) {
    %c0_i32 = arith.constant 0 : i32
    %c0_i32_0 = arith.constant 0 : i32
    %c0_i32_1 = arith.constant 0 : i32
    return %c0_i32, %c0_i32_0 : i32, i32
  }
  func.func @transform_1(%arg0: i32, %arg1: memref<128xi32, #tpu.memory_space<smem>>, %arg2: memref<128xi32, #tpu.memory_space<smem>>, %arg3: memref<128xi32, #tpu.memory_space<smem>>) -> (i32, i32) {
    %c0_i32 = arith.constant 0 : i32
    %c0_i32_0 = arith.constant 0 : i32
    %c0_i32_1 = arith.constant 0 : i32
    return %c0_i32, %c0_i32_0 : i32, i32
  }
  func.func @transform_2(%arg0: i32, %arg1: memref<128xi32, #tpu.memory_space<smem>>, %arg2: memref<128xi32, #tpu.memory_space<smem>>, %arg3: memref<128xi32, #tpu.memory_space<smem>>) -> (i32, i32, i32) {
    %get3A = arith.index_cast %arg0 : i32 to index
    %get3A_0 = memref.load %arg1[%get3A] : memref<128xi32, #tpu.memory_space<smem>>
    %c0_i32 = arith.constant 0 : i32
    %c0_i32_1 = arith.constant 0 : i32
    %c0_i32_2 = arith.constant 0 : i32
    return %get3A_0, %c0_i32, %c0_i32_1 : i32, i32, i32
  }
  func.func @transform_3(%arg0: i32, %arg1: memref<128xi32, #tpu.memory_space<smem>>, %arg2: memref<128xi32, #tpu.memory_space<smem>>, %arg3: memref<128xi32, #tpu.memory_space<smem>>) -> (i32, i32, i32) {
    %get3A = arith.index_cast %arg0 : i32 to index
    %get3A_0 = memref.load %arg1[%get3A] : memref<128xi32, #tpu.memory_space<smem>>
    %c0_i32 = arith.constant 0 : i32
    %c0_i32_1 = arith.constant 0 : i32
    %c0_i32_2 = arith.constant 0 : i32
    return %get3A_0, %c0_i32, %c0_i32_1 : i32, i32, i32
  }
  func.func @transform_4(%arg0: i32, %arg1: memref<128xi32, #tpu.memory_space<smem>>, %arg2: memref<128xi32, #tpu.memory_space<smem>>, %arg3: memref<128xi32, #tpu.memory_space<smem>>) -> (i32, i32) {
    %get3A = arith.index_cast %arg0 : i32 to index
    %get3A_0 = memref.load %arg3[%get3A] : memref<128xi32, #tpu.memory_space<smem>>
    %c0_i32 = arith.constant 0 : i32
    %c0_i32_1 = arith.constant 0 : i32
    return %get3A_0, %c0_i32 : i32, i32
  }
}

module attributes {stable_mosaic.version = 14 : i64} {
  func.func @_router_body(%arg0: memref<2048x1024xf32, #tpu.memory_space<vmem>>, %arg1: memref<64x1024xf32, #tpu.memory_space<vmem>>, %arg2: memref<2048x1xi32, #tpu.memory_space<vmem>>, %arg3: memref<1x128xi32, #tpu.memory_space<vmem>>, %arg4: memref<1x128xi32, #tpu.memory_space<vmem>>, %arg5: memref<1x128xi32, #tpu.memory_space<vmem>>) attributes {dimension_semantics = [], scalar_prefetch = 0 : i64, scratch_operands = 0 : i64, tpu.core_type = #tpu.core_type<tc>} {
    %get3A = arith.constant 0 : index
    %get3A_0 = arith.constant 0 : index
    %get3A_1 = vector.load %arg0[%get3A, %get3A_0] : memref<2048x1024xf32, #tpu.memory_space<vmem>>, vector<2048x1024xf32>
    %get3A_2 = arith.constant 0 : index
    %get3A_3 = arith.constant 0 : index
    %get3A_4 = vector.load %arg1[%get3A_2, %get3A_3] : memref<64x1024xf32, #tpu.memory_space<vmem>>, vector<64x1024xf32>
    %dot_general3A = arith.constant dense<0.000000e+00> : vector<2048x64xf32>
    %dot_general3A_5 = tpu.matmul %get3A_1, %get3A_4, %dot_general3A {dimension_numbers = #tpu.dot_dimension_numbers<[1], [1], [0], [0], [0, 0, 1, 0], [], []>, transpose_lhs_hint = false} : vector<2048x1024xf32>, vector<64x1024xf32>, vector<2048x64xf32> -> vector<2048x64xf32>
    %argmax3A = tpu.reduce_index %dot_general3A_5 {axis = 1 : i32, kind = #tpu.reduction_kind<arg_max>} : vector<2048x64xf32> -> vector<2048xi32>
    %reshape3A = vector.shape_cast %argmax3A : vector<2048xi32> to vector<2048x1xi32>
    %iota3A = tpu.iota {dimensions = array<i32: 1>} : vector<2048x64xi32>
    %eq3A = vector.broadcast %reshape3A : vector<2048x1xi32> to vector<2048x64xi32>
    %eq3A_6 = arith.cmpi eq, %iota3A, %eq3A : vector<2048x64xi32>
    %convert_element_type3A = arith.extui %eq3A_6 : vector<2048x64xi1> to vector<2048x64xi32>
    %convert_element_type3A_7 = arith.sitofp %convert_element_type3A : vector<2048x64xi32> to vector<2048x64xf32>
    %broadcast_in_dim3A = arith.constant 0.000000e+00 : f32
    %broadcast_in_dim3A_8 = vector.broadcast %broadcast_in_dim3A : f32 to vector<1x64xf32>
    %slice3A = vector.extract_strided_slice %convert_element_type3A_7 {offsets = [0, 0], sizes = [2047, 64], strides = [1, 1]} : vector<2048x64xf32> to vector<2047x64xf32>
    %concatenate3A = tpu.concatenate %broadcast_in_dim3A_8, %slice3A in 0 : vector<1x64xf32>, vector<2047x64xf32> -> vector<2048x64xf32>
    %add3A = arith.addf %convert_element_type3A_7, %concatenate3A : vector<2048x64xf32>
    %broadcast_in_dim3A_9 = arith.constant 0.000000e+00 : f32
    %broadcast_in_dim3A_10 = vector.broadcast %broadcast_in_dim3A_9 : f32 to vector<2x64xf32>
    %slice3A_11 = vector.extract_strided_slice %add3A {offsets = [0, 0], sizes = [2046, 64], strides = [1, 1]} : vector<2048x64xf32> to vector<2046x64xf32>
    %concatenate3A_12 = tpu.concatenate %broadcast_in_dim3A_10, %slice3A_11 in 0 : vector<2x64xf32>, vector<2046x64xf32> -> vector<2048x64xf32>
    %add3A_13 = arith.addf %add3A, %concatenate3A_12 : vector<2048x64xf32>
    %broadcast_in_dim3A_14 = arith.constant 0.000000e+00 : f32
    %broadcast_in_dim3A_15 = vector.broadcast %broadcast_in_dim3A_14 : f32 to vector<4x64xf32>
    %slice3A_16 = vector.extract_strided_slice %add3A_13 {offsets = [0, 0], sizes = [2044, 64], strides = [1, 1]} : vector<2048x64xf32> to vector<2044x64xf32>
    %concatenate3A_17 = tpu.concatenate %broadcast_in_dim3A_15, %slice3A_16 in 0 : vector<4x64xf32>, vector<2044x64xf32> -> vector<2048x64xf32>
    %add3A_18 = arith.addf %add3A_13, %concatenate3A_17 : vector<2048x64xf32>
    %broadcast_in_dim3A_19 = arith.constant 0.000000e+00 : f32
    %broadcast_in_dim3A_20 = vector.broadcast %broadcast_in_dim3A_19 : f32 to vector<8x64xf32>
    %slice3A_21 = vector.extract_strided_slice %add3A_18 {offsets = [0, 0], sizes = [2040, 64], strides = [1, 1]} : vector<2048x64xf32> to vector<2040x64xf32>
    %concatenate3A_22 = tpu.concatenate %broadcast_in_dim3A_20, %slice3A_21 in 0 : vector<8x64xf32>, vector<2040x64xf32> -> vector<2048x64xf32>
    %add3A_23 = arith.addf %add3A_18, %concatenate3A_22 : vector<2048x64xf32>
    %broadcast_in_dim3A_24 = arith.constant 0.000000e+00 : f32
    %broadcast_in_dim3A_25 = vector.broadcast %broadcast_in_dim3A_24 : f32 to vector<16x64xf32>
    %slice3A_26 = vector.extract_strided_slice %add3A_23 {offsets = [0, 0], sizes = [2032, 64], strides = [1, 1]} : vector<2048x64xf32> to vector<2032x64xf32>
    %concatenate3A_27 = tpu.concatenate %broadcast_in_dim3A_25, %slice3A_26 in 0 : vector<16x64xf32>, vector<2032x64xf32> -> vector<2048x64xf32>
    %add3A_28 = arith.addf %add3A_23, %concatenate3A_27 : vector<2048x64xf32>
    %broadcast_in_dim3A_29 = arith.constant 0.000000e+00 : f32
    %broadcast_in_dim3A_30 = vector.broadcast %broadcast_in_dim3A_29 : f32 to vector<32x64xf32>
    %slice3A_31 = vector.extract_strided_slice %add3A_28 {offsets = [0, 0], sizes = [2016, 64], strides = [1, 1]} : vector<2048x64xf32> to vector<2016x64xf32>
    %concatenate3A_32 = tpu.concatenate %broadcast_in_dim3A_30, %slice3A_31 in 0 : vector<32x64xf32>, vector<2016x64xf32> -> vector<2048x64xf32>
    %add3A_33 = arith.addf %add3A_28, %concatenate3A_32 : vector<2048x64xf32>
    %broadcast_in_dim3A_34 = arith.constant 0.000000e+00 : f32
    %broadcast_in_dim3A_35 = vector.broadcast %broadcast_in_dim3A_34 : f32 to vector<64x64xf32>
    %slice3A_36 = vector.extract_strided_slice %add3A_33 {offsets = [0, 0], sizes = [1984, 64], strides = [1, 1]} : vector<2048x64xf32> to vector<1984x64xf32>
    %concatenate3A_37 = tpu.concatenate %broadcast_in_dim3A_35, %slice3A_36 in 0 : vector<64x64xf32>, vector<1984x64xf32> -> vector<2048x64xf32>
    %add3A_38 = arith.addf %add3A_33, %concatenate3A_37 : vector<2048x64xf32>
    %broadcast_in_dim3A_39 = arith.constant 0.000000e+00 : f32
    %broadcast_in_dim3A_40 = vector.broadcast %broadcast_in_dim3A_39 : f32 to vector<128x64xf32>
    %slice3A_41 = vector.extract_strided_slice %add3A_38 {offsets = [0, 0], sizes = [1920, 64], strides = [1, 1]} : vector<2048x64xf32> to vector<1920x64xf32>
    %concatenate3A_42 = tpu.concatenate %broadcast_in_dim3A_40, %slice3A_41 in 0 : vector<128x64xf32>, vector<1920x64xf32> -> vector<2048x64xf32>
    %add3A_43 = arith.addf %add3A_38, %concatenate3A_42 : vector<2048x64xf32>
    %broadcast_in_dim3A_44 = arith.constant 0.000000e+00 : f32
    %broadcast_in_dim3A_45 = vector.broadcast %broadcast_in_dim3A_44 : f32 to vector<256x64xf32>
    %slice3A_46 = vector.extract_strided_slice %add3A_43 {offsets = [0, 0], sizes = [1792, 64], strides = [1, 1]} : vector<2048x64xf32> to vector<1792x64xf32>
    %concatenate3A_47 = tpu.concatenate %broadcast_in_dim3A_45, %slice3A_46 in 0 : vector<256x64xf32>, vector<1792x64xf32> -> vector<2048x64xf32>
    %add3A_48 = arith.addf %add3A_43, %concatenate3A_47 : vector<2048x64xf32>
    %broadcast_in_dim3A_49 = arith.constant 0.000000e+00 : f32
    %broadcast_in_dim3A_50 = vector.broadcast %broadcast_in_dim3A_49 : f32 to vector<512x64xf32>
    %slice3A_51 = vector.extract_strided_slice %add3A_48 {offsets = [0, 0], sizes = [1536, 64], strides = [1, 1]} : vector<2048x64xf32> to vector<1536x64xf32>
    %concatenate3A_52 = tpu.concatenate %broadcast_in_dim3A_50, %slice3A_51 in 0 : vector<512x64xf32>, vector<1536x64xf32> -> vector<2048x64xf32>
    %add3A_53 = arith.addf %add3A_48, %concatenate3A_52 : vector<2048x64xf32>
    %broadcast_in_dim3A_54 = arith.constant 0.000000e+00 : f32
    %broadcast_in_dim3A_55 = vector.broadcast %broadcast_in_dim3A_54 : f32 to vector<1024x64xf32>
    %slice3A_56 = vector.extract_strided_slice %add3A_53 {offsets = [0, 0], sizes = [1024, 64], strides = [1, 1]} : vector<2048x64xf32> to vector<1024x64xf32>
    %concatenate3A_57 = tpu.concatenate %broadcast_in_dim3A_55, %slice3A_56 in 0 : vector<1024x64xf32>, vector<1024x64xf32> -> vector<2048x64xf32>
    %add3A_58 = arith.addf %add3A_53, %concatenate3A_57 : vector<2048x64xf32>
    %slice3A_59 = vector.extract_strided_slice %add3A_58 {offsets = [2047, 0], sizes = [1, 64], strides = [1, 1]} : vector<2048x64xf32> to vector<1x64xf32>
    %div3A = arith.constant 1.280000e+02 : f32
    %div3A_60 = vector.broadcast %div3A : f32 to vector<1x64xf32>
    %div3A_61 = arith.divf %slice3A_59, %div3A_60 : vector<1x64xf32>
    %ceil3A = math.ceil %div3A_61 : vector<1x64xf32>
    %iota3A_62 = tpu.iota {dimensions = array<i32: 0>} : vector<64x64xi32>
    %iota3A_63 = tpu.iota {dimensions = array<i32: 1>} : vector<64x64xi32>
    %le3A = arith.cmpi sle, %iota3A_62, %iota3A_63 : vector<64x64xi32>
    %convert_element_type3A_64 = arith.extui %le3A : vector<64x64xi1> to vector<64x64xi32>
    %convert_element_type3A_65 = arith.sitofp %convert_element_type3A_64 : vector<64x64xi32> to vector<64x64xf32>
    %dot_general3A_66 = arith.constant dense<0.000000e+00> : vector<1x64xf32>
    %dot_general3A_67 = tpu.matmul %ceil3A, %convert_element_type3A_65, %dot_general3A_66 {dimension_numbers = #tpu.dot_dimension_numbers<[1], [0], [0], [1], [0, 0, 1, 1], [], []>, transpose_lhs_hint = false} : vector<1x64xf32>, vector<64x64xf32>, vector<1x64xf32> -> vector<1x64xf32>
    %sub3A = arith.subf %dot_general3A_67, %ceil3A : vector<1x64xf32>
    %mul3A = arith.constant 1.280000e+02 : f32
    %mul3A_68 = vector.broadcast %mul3A : f32 to vector<1x64xf32>
    %mul3A_69 = arith.mulf %sub3A, %mul3A_68 : vector<1x64xf32>
    %iota3A_70 = tpu.iota {dimensions = array<i32: 0>} : vector<128x64xi32>
    %convert_element_type3A_71 = arith.sitofp %iota3A_70 : vector<128x64xi32> to vector<128x64xf32>
    %ge3A = vector.broadcast %dot_general3A_67 : vector<1x64xf32> to vector<128x64xf32>
    %ge3A_72 = arith.cmpf oge, %convert_element_type3A_71, %ge3A : vector<128x64xf32>
    %convert_element_type3A_73 = arith.extui %ge3A_72 : vector<128x64xi1> to vector<128x64xi32>
    %convert_element_type3A_74 = arith.sitofp %convert_element_type3A_73 : vector<128x64xi32> to vector<128x64xf32>
    %reduce_sum3A = arith.constant dense<0.000000e+00> : vector<128xf32>
    %reduce_sum3A_75 = vector.multi_reduction <add>, %convert_element_type3A_74, %reduce_sum3A [1] : vector<128x64xf32> to vector<128xf32>
    %min3A = arith.constant 6.300000e+01 : f32
    %min3A_76 = vector.broadcast %min3A : f32 to vector<128xf32>
    %min3A_77 = arith.minimumf %reduce_sum3A_75, %min3A_76 : vector<128xf32>
    %reshape3A_78 = vector.shape_cast %min3A_77 : vector<128xf32> to vector<1x128xf32>
    %slice3A_79 = vector.extract_strided_slice %dot_general3A_67 {offsets = [0, 63], sizes = [1, 1], strides = [1, 1]} : vector<1x64xf32> to vector<1x1xf32>
    %slice3A_80 = vector.extract_strided_slice %convert_element_type3A_71 {offsets = [0, 0], sizes = [128, 1], strides = [1, 1]} : vector<128x64xf32> to vector<128x1xf32>
    %reshape3A_81 = vector.shape_cast %slice3A_80 : vector<128x1xf32> to vector<1x128xf32>
    %lt3A = vector.broadcast %slice3A_79 : vector<1x1xf32> to vector<1x128xf32>
    %lt3A_82 = arith.cmpf olt, %reshape3A_81, %lt3A : vector<1x128xf32>
    %convert_element_type3A_83 = arith.extui %lt3A_82 : vector<1x128xi1> to vector<1x128xi32>
    %swap3A = arith.constant 0 : index
    %swap3A_84 = arith.constant 0 : index
    %swap3A_85 = vector.load %arg4[%swap3A, %swap3A_84] : memref<1x128xi32, #tpu.memory_space<vmem>>, vector<1x128xi32>
    tpu.vector_store %arg4[%swap3A, %swap3A_84], %convert_element_type3A_83 {strides = array<i32>} : memref<1x128xi32, #tpu.memory_space<vmem>>, vector<1x128xi32>,
    %sub3A_86 = arith.constant 1.000000e+00 : f32
    %sub3A_87 = vector.broadcast %sub3A_86 : f32 to vector<1x1xf32>
    %sub3A_88 = arith.subf %slice3A_79, %sub3A_87 : vector<1x1xf32>
    %eq3A_89 = vector.broadcast %sub3A_88 : vector<1x1xf32> to vector<1x128xf32>
    %eq3A_90 = arith.cmpf oeq, %reshape3A_81, %eq3A_89 : vector<1x128xf32>
    %jit3A = arith.constant 0.000000e+00 : f32
    %broadcast_in_dim3A_91 = vector.broadcast %jit3A : f32 to vector<1x128xf32>
    %select_n3A = arith.select %eq3A_90, %reshape3A_78, %broadcast_in_dim3A_91 : vector<1x128xi1>, vector<1x128xf32>
    %reduce_sum3A_92 = arith.constant dense<0.000000e+00> : vector<1xf32>
    %reduce_sum3A_93 = vector.multi_reduction <add>, %select_n3A, %reduce_sum3A_92 [1] : vector<1x128xf32> to vector<1xf32>
    %broadcast_in_dim3A_94 = vector.shape_cast %reduce_sum3A_93 : vector<1xf32> to vector<1x1xf32>
    %broadcast_in_dim3A_95 = vector.shape_cast %broadcast_in_dim3A_94 : vector<1x1xf32> to vector<1x1xf32>
    %broadcast_in_dim3A_96 = vector.broadcast %broadcast_in_dim3A_95 : vector<1x1xf32> to vector<1x128xf32>
    %select_n3A_97 = arith.select %lt3A_82, %reshape3A_78, %broadcast_in_dim3A_96 : vector<1x128xi1>, vector<1x128xf32>
    %convert_element_type3A_98 = arith.fptosi %select_n3A_97 : vector<1x128xf32> to vector<1x128xi32>
    %swap3A_99 = arith.constant 0 : index
    %swap3A_100 = arith.constant 0 : index
    %swap3A_101 = vector.load %arg3[%swap3A_99, %swap3A_100] : memref<1x128xi32, #tpu.memory_space<vmem>>, vector<1x128xi32>
    tpu.vector_store %arg3[%swap3A_99, %swap3A_100], %convert_element_type3A_98 {strides = array<i32>} : memref<1x128xi32, #tpu.memory_space<vmem>>, vector<1x128xi32>,
    %broadcast_in_dim3A_102 = vector.shape_cast %slice3A_79 : vector<1x1xf32> to vector<1x1xf32>
    %broadcast_in_dim3A_103 = vector.broadcast %broadcast_in_dim3A_102 : vector<1x1xf32> to vector<1x128xf32>
    %select_n3A_104 = arith.select %lt3A_82, %reshape3A_81, %broadcast_in_dim3A_103 : vector<1x128xi1>, vector<1x128xf32>
    %convert_element_type3A_105 = arith.fptosi %select_n3A_104 : vector<1x128xf32> to vector<1x128xi32>
    %swap3A_106 = arith.constant 0 : index
    %swap3A_107 = arith.constant 0 : index
    %swap3A_108 = vector.load %arg5[%swap3A_106, %swap3A_107] : memref<1x128xi32, #tpu.memory_space<vmem>>, vector<1x128xi32>
    tpu.vector_store %arg5[%swap3A_106, %swap3A_107], %convert_element_type3A_105 {strides = array<i32>} : memref<1x128xi32, #tpu.memory_space<vmem>>, vector<1x128xi32>,
    %sub3A_109 = arith.subf %add3A_58, %convert_element_type3A_7 : vector<2048x64xf32>
    %add3A_110 = vector.broadcast %mul3A_69 : vector<1x64xf32> to vector<2048x64xf32>
    %add3A_111 = arith.addf %sub3A_109, %add3A_110 : vector<2048x64xf32>
    %mul3A_112 = arith.mulf %add3A_111, %convert_element_type3A_7 : vector<2048x64xf32>
    %reduce_sum3A_113 = arith.constant dense<0.000000e+00> : vector<2048xf32>
    %reduce_sum3A_114 = vector.multi_reduction <add>, %mul3A_112, %reduce_sum3A_113 [1] : vector<2048x64xf32> to vector<2048xf32>
    %broadcast_in_dim3A_115 = vector.shape_cast %reduce_sum3A_114 : vector<2048xf32> to vector<2048x1xf32>
    %convert_element_type3A_116 = arith.fptosi %broadcast_in_dim3A_115 : vector<2048x1xf32> to vector<2048x1xi32>
    %swap3A_117 = arith.constant 0 : index
    %swap3A_118 = arith.constant 0 : index
    %swap3A_119 = vector.load %arg2[%swap3A_117, %swap3A_118] : memref<2048x1xi32, #tpu.memory_space<vmem>>, vector<2048x1xi32>
    tpu.vector_store %arg2[%swap3A_117, %swap3A_118], %convert_element_type3A_116 {strides = array<i32>} : memref<2048x1xi32, #tpu.memory_space<vmem>>, vector<2048x1xi32>,
    return
  }
}

</mosaic_0001>

<sc_bundles>
// kernel: kernel.5.cloned.1.call-start
scs
__scs_entry_jumppad:
0x0: {  	(pc) =	sbr.rel $0x88, $3  }
0x1: {  	(tag) =	ssettag $0x0;
	lr =	simm.s32 $0x1  }
0x2: {  	[smem:$0x3F9D] =	sst lr;
	_ =	strace $0xD0000000  }
0x3: {  	_ = 	snop  }
0x4: {  	_ = 	snop  }
0x5: {  	_ = 	snop  }
0x6: {  	_ = 	snop  }
0x7: {  	_ = 	snop  }
__scs_overlays_trampoline_lowered:
0x8: {  	[smem:$0x3FAC] =	sst s0  }
0x9: {  	[smem:$0x3FAD] =	sst s1  }
0xa: {  	[smem:$0x3FAE] =	sst s2  }
0xb: {  	[smem:$0x3FAF] =	sst s3  }
0xc: {  	[smem:$0x3FB0] =	sst s4  }
0xd: {  	[smem:$0x3FB1] =	sst s5  }
0xe: {  	[smem:$0x3FB2] =	sst s6  }
0xf: {  	[smem:$0x3FB3] =	sst s7  }
0x10: {  	[smem:$0x3FB4] =	sst s8  }
0x11: {  	[smem:$0x3FB5] =	sst s9;
	s0 =	simm.s32 @!p0 $0x0  }
0x12: {  	s1 =	sld [smem:$0x3F9B];
	s0 =	simm.s32 @p0 $0x1  }
0x13: {  	[smem:$0x3FB6] =	sst s0;
	s0 =	simm.s32 @!p1 $0x0  }
0x14: {  	s2 =	sld [smem:$0x3F9A];
	s0 =	simm.s32 @p1 $0x1  }
0x15: {  	[smem:$0x3FB7] =	sst s0;
	s0 =	simm.s32 @!p2 $0x0  }
0x16: {  	s3 =	sld [smem:$0x3FDB];
	s0 =	simm.s32 @p2 $0x1  }
0x17: {  	s4 =	simm.s32 $0x1BF5;
	[smem:$0x3FB9] =	sst s0  }
0x18: {  	s0 =	sld [smem:$0x3F9C];
	_ =	swait.ge [sflag:s4], $0x0  }
0x19: {  	s7 =	sld [smem:$0x3F9D]  }
0x1a: {  	s8 =	sadd.s32 $0xFFFFE003, lr  }
0x1b: {  	s9 =	sadd.s32 $0xFFFFFEF7, lr;
	s5 =	simm.s32 $0xFFFFFFFF;
	p2 =	slt.u32 s8, $0xFFFFF086  }
0x1c: {  	p1 =	slt.u32 s9, $0xF7A;
	s5 =	simm.s32 @!p2 $0x0  }
0x1d: {  	s5 =	simm.s32 @p1 $0x1;
	p0 =	seq.s32 s7, s2  }
0x1e: {  	s7 =	smul.u32 @!p0 $0xF7A, s2;
	p2 =	seq.s32 @!p0 s5, $0x0  }
0x1f: {  	s9 =	smul.u32 $0xF7A, s1;
	s8 =	simm.s32 @!p0 $0x1BF5;
	p2 =	por !p2, p0  }
0x20: {  	[sflag:s8] =	ssyncset.s32 @!p0 $0xFFFFF086;
	s6 =	sadd.s32 @!p0 s3, s7;
	s7 =	simm.s32 @!p0 $0x108  }
0x21: {  	s3 =	sadd.s32 s3, s9;
	s6 =	sadd.s32 @!p0 $0x88, s6;
	s7 =	simm.s32 @p2 $0x1082  }
0x22: {  	[simem:s7], [sflag:s8] =	dma.local @!p0 [hbm:s6], $0xF7A  }
0x23: {  	s9 =	sor.u32 $0xD0000000, s2;
	s6 =	simm.s32 $0x108;
	_ =	swait.ge @!p0 [sflag:s8], $0x0  }
0x24: {  	s3 =	sadd.s32 $0x88, s3;
	s6 =	simm.s32 @!p1 $0x1082;
	[sflag:s4] =	ssyncset.s32 $0xFFFFF086  }
0x25: {  	[simem:s6], [sflag:s4] =	dma.local [hbm:s3], $0xF7A  }
0x26: {  	[smem:$0x3F9D] =	sst s1;
	(tag) =	ssettag s2;
	_ =	strace s9  }
0x27: {  	s1 =	sld [smem:$0x3FAD]  }
0x28: {  	s2 =	sld [smem:$0x3FAE]  }
0x29: {  	s4 =	sld [smem:$0x3FB0]  }
0x2a: {  	p0 =	seq.s32 s5, $0x0;
	s5 =	sld [smem:$0x3FB1]  }
0x2b: {  	s6 =	sld [smem:$0x3FB2]  }
0x2c: {  	s7 =	sld [smem:$0x3FB3]  }
0x2d: {  	s3 =	simm.s32 $0x108;
	s8 =	sld [smem:$0x3FB4]  }
0x2e: {  	s3 =	simm.s32 @!p0 $0x1082;
	s9 =	sld [smem:$0x3FB5]  }
0x2f: {  	lr =	sadd.s32 s0, s3;
	s0 =	sld [smem:$0x3FAC]  }
0x30: {  	s3 =	sld [smem:$0x3FAF]  }
0x31: {  	[smem:$0x3FB8] =	sst s10  }
0x32: {  	s10 =	sld [smem:$0x3FB6];
	_ =	sdelay $0x3  }
0x33: {  	p0 =	seq.s32 s10, $0x1;
	s10 =	sld [smem:$0x3FB8];
	_ =	sdelay $0x3  }
0x34: {  	[smem:$0x3FB8] =	sst s10  }
0x35: {  	s10 =	sld [smem:$0x3FB7];
	_ =	sdelay $0x3  }
0x36: {  	p1 =	seq.s32 s10, $0x1;
	s10 =	sld [smem:$0x3FB8];
	_ =	sdelay $0x3  }
0x37: {  	[smem:$0x3FB8] =	sst s10  }
0x38: {  	s10 =	sld [smem:$0x3FB9]  }
0x39: {  	_ = 	snop;
	(pc) =	sbr.ind lr, $3  }
0x3a: {  	_ = 	snop  }
0x3b: {  	_ = 	snop  }
0x3c: {  	p2 =	seq.s32 s10, $0x1;
	s10 =	sld [smem:$0x3FB8]  }
0x3d: {  	_ =	shalt  }
0x3e: {  	_ =	shalt  }
0x3f: {  	_ =	shalt  }
0x40: {  	_ =	shalt  }
0x41: {  	_ =	shalt  }
0x42: {  	_ =	shalt  }
0x43: {  	_ =	shalt  }
0x44: {  	_ =	shalt  }
0x45: {  	_ =	shalt  }
0x46: {  	_ =	shalt  }
0x47: {  	_ =	shalt  }
0x48: {  	_ =	shalt  }
0x49: {  	_ =	shalt  }
0x4a: {  	_ =	shalt  }
0x4b: {  	_ =	shalt  }
0x4c: {  	_ =	shalt  }
0x4d: {  	_ =	shalt  }
0x4e: {  	_ =	shalt  }
0x4f: {  	_ =	shalt  }
0x50: {  	_ =	shalt  }
0x51: {  	_ =	shalt  }
0x52: {  	_ =	shalt  }
0x53: {  	_ =	shalt  }
0x54: {  	_ =	shalt  }
0x55: {  	_ =	shalt  }
0x56: {  	_ =	shalt  }
0x57: {  	_ =	shalt  }
0x58: {  	_ =	shalt  }
0x59: {  	_ =	shalt  }
0x5a: {  	_ =	shalt  }
0x5b: {  	_ =	shalt  }
0x5c: {  	_ =	shalt  }
0x5d: {  	_ =	shalt  }
0x5e: {  	_ =	shalt  }
0x5f: {  	_ =	shalt  }
0x60: {  	_ =	shalt  }
0x61: {  	_ =	shalt  }
0x62: {  	_ =	shalt  }
0x63: {  	_ =	shalt  }
0x64: {  	_ =	shalt  }
0x65: {  	_ =	shalt  }
0x66: {  	_ =	shalt  }
0x67: {  	_ =	shalt  }
0x68: {  	_ =	shalt  }
0x69: {  	_ =	shalt  }
0x6a: {  	_ =	shalt  }
0x6b: {  	_ =	shalt  }
0x6c: {  	_ =	shalt  }
0x6d: {  	_ =	shalt  }
0x6e: {  	_ =	shalt  }
0x6f: {  	_ =	shalt  }
0x70: {  	_ =	shalt  }
0x71: {  	_ =	shalt  }
0x72: {  	_ =	shalt  }
0x73: {  	_ =	shalt  }
0x74: {  	_ =	shalt  }
0x75: {  	_ =	shalt  }
0x76: {  	_ =	shalt  }
0x77: {  	_ =	shalt  }
0x78: {  	_ =	shalt  }
0x79: {  	_ =	shalt  }
0x7a: {  	_ =	shalt  }
0x7b: {  	_ =	shalt  }
0x7c: {  	_ =	shalt  }
0x7d: {  	_ =	shalt  }
0x7e: {  	_ =	shalt  }
0x7f: {  	_ =	shalt  }
0x80: {  	_ =	shalt  }
0x81: {  	_ =	shalt  }
0x82: {  	_ =	shalt  }
0x83: {  	_ =	shalt  }
0x84: {  	_ =	shalt  }
0x85: {  	_ =	shalt  }
0x86: {  	_ =	shalt  }
0x87: {  	_ =	shalt  }
.Lfunc_end0:
.L_simem_size_0:
called_computation_lowered:
.L_overlay_start_0:
0x88: {  	s2 =	sld [smem:$0x3FD9]  }
0x89: {  	s3 =	sld [smem:$0x3FFE];
	_ =	sdelay $0x1  }
0x8a: {  	s1 =	srdreg.scid  }
0x8b: {  	s0 =	sand.u32 $0x1, s1  }
0x8c: {  	s17 =	sshll.u32 s0, $0xA;
	s2 =	sadd.s32 s3, s2  }
0x8d: {  	s2 =	sadd.s32 s2, s17  }
0x8e: {  	[smem:$0x3FC4] =	sst s2  }
0x8f: {  	_ = 	snop  }
0x90: {  	s2 =	sld [smem:$0x3FD0];
	(tm) =	ssettm $0x1  }
0x91: {  	s18 =	sld [smem:$0x3FFB];
	_ =	sdelay $0x3  }
0x92: {  	_ =	strace s18  }
0x93: {  	s3 =	sld [smem:$0x3FFC];
	_ =	sdelay $0x3  }
0x94: {  	_ =	strace s3  }
0x95: {  	s3 =	sld [smem:$0x3FFD];
	_ =	sdelay $0x3  }
0x96: {  	_ =	strace s3  }
0x97: {  	_ =	strace $0x8FFFFFFF  }
0x98: {  	s19 =	sld [smem:$0x3FDB];
	_ =	sdelay $0x1  }
0x99: {  	s4 =	simm.s32 $_scs_section_size  }
0x9a: {  	s5 =	simm.s32 $_size__tile_overlayer_lowered;
	s6 =	simm.s32 $_tile_overlayer_lowered  }
0x9b: {  	s22 =	simm.s32 $0x1BFF;
	s21 =	sshll.u32 s6, $0x1;
	s3 =	sadd.s32 s4, s19  }
0x9c: {  	s7 =	simm.s32 $0x0;
	s20 =	sshll.u32 s5, $0x1;
	s5 =	sadd.s32 s21, s3  }
0x9d: {  	[timem:s7], [sflag:s22] =	dma.local [hbm:s5], s20  }
0x9e: {  	_ =	swait.ge [sflag:s22], s20  }
0x9f: {  	s4 =	ssub.s32 $0x0, s20;
	[sflag:s22] =	ssyncset.done $0x0  }
0xa0: {  	[sflag:s22] =	ssyncadd.s32 s4;
	_ =	sdelay $0x1  }
0xa1: {  	s23 =	simm.s32 $0x1B8B  }
0xa2: {  	_ =	swait.ge [sflag:s23], $0x1  }
0xa3: {  	[sflag:s23] =	ssyncset.done $0x0  }
0xa4: {  	s25 =	simm.s32 $0x1B8E;
	s24 =	sld [smem:$0x3FFE];
	[sflag:s23] =	ssyncadd.s32 $0xFFFFFFFF  }
0xa5: {  	s26 =	simm.s32 $execute0_lowered;
	[smem:$0x3FD2] =	sst s25  }
0xa6: {  	s5 =	sshll.u32 s26, $0x1;
	_ =	strace $0x80000046;
	[dreg:$0x1] =	wrdreg $0xFFFFFFFF  }
0xa7: {  	s28 =	simm.s32 $_size_execute0_lowered;
	s3 =	sadd.s32 s3, s5;
	[dreg:$0x0] =	wrdreg $0x0  }
0xa8: {  	s5 =	sshll.u32 s28, $0x1;
	[dreg:$0x2] =	wrdreg s3  }
0xa9: {  	[dreg:$0x3] =	wrdreg s5  }
0xaa: {  	[dreg:$0x4] =	wrdreg $0xC0  }
0xab: {  	_ =	task [dreg:s7], $0x5FFFF  }
0xac: {  	[dreg:$0x1] =	wrdreg $0xFFFFFFFF  }
0xad: {  	[dreg:$0x0] =	wrdreg $0x60  }
0xae: {  	[dreg:$0x2] =	wrdreg s24  }
0xaf: {  	[dreg:$0x3] =	wrdreg s2  }
0xb0: {  	[dreg:$0x4] =	wrdreg $0x9  }
0xb1: {  	_ =	task.clear_ibuf [dreg:s7], $0x5FFFF;
	_ =	strace $0x90000046  }
0xb2: {  	s29 =	simm.s32 $0x9;
	_ =	strace $0x80000048  }
0xb3: {  	_ =	swait.ge [sflag:s29], $0x1  }
0xb4: {  	[sflag:s29] =	ssyncadd.s32 $0xFFFFFFFF  }
0xb5: {  	_ =	strace $0x90000048  }
0xb6: {  	_ =	sfence  }
0xb7: {  	s30 =	sld [smem:$0x0];
	_ =	sdelay $0x2  }
0xb8: {  	s31 =	sshll.u32 s1, $0xD;
	s1 =	sshrl.u32 s1, $0x2  }
0xb9: {  	s3 =	sand.u32 $0x4000, s31;
	s1 =	sadd.s32 s1, s30  }
0xba: {  	s0 =	sor.u32 s3, s0;
	s1 =	sshll.u32 s1, $0x11  }
0xbb: {  	s0 =	sor.u32 s1, s0  }
0xbc: {  	s0 =	sadd.s32 $0x8F2B, s0  }
0xbd: {  	[sflag:s0] =	ssyncadd.remote.s32 $0x1  }
0xbe: {  	_ =	sfence.sel $0xFFFF  }
0xbf: {  	[dreg:$0x0] =	wrdreg $0xFFFFFFFF;
	(pc) =	sbr.abs _section_cstart, $3  }
0xc0: {  	[dreg:$0x1] =	wrdreg $0xFFFFFFFF  }
0xc1: {  	_ =	task.clear_ibuf [dreg:s7], $0x2FFFF;
	_ =	strace $0x9FFFFFFF  }
0xc2: {  	(tm) =	ssettm $0x7FFFFFFF  }
0xc3: {  	_ =	shalt  }
tec
execute0_lowered:
.L_overlay_start_1:
0x0: {  	(tag) =	ssettag $0x1  }
0x1: {  	s1 =	srdreg.scid  }
0x2: {  	s0 =	stileid.u32;
	s6 =	rddreg [dreg:$0x0]  }
0x3: {  	s4 =	rddreg [dreg:$0x1];
	s18 =	simm.s32 $0x880;
	s19 =	simm.s32 $0x1080  }
0x4: {  	s20 =	simm.s32 $0x1880;
	s22 =	simm.s32 $0x2080;
	s23 =	simm.s32 $0x2880  }
0x5: {  	s7 =	simm.s32 $0x3080;
	s24 =	simm.s32 $0x3880;
	s8 =	simm.s32 $0x4080  }
0x6: {  	s25 =	simm.s32 $0x4880;
	s26 =	simm.s32 $0x5080;
	s1 =	sand.u32 $0x1, s1  }
0x7: {  	s9 =	simm.s32 $0x80;
	s2 =	sshll.u32 s0, $0x7;
	s3 =	sshll.u32 s1, $0x6  }
0x8: {  	s11 =	simm.s32 $0x6080;
	s3 =	sor.u32 s3, s2;
	s2 =	simm.s32 $0x0  }
0x9: {  	s12 =	simm.s32 $0x6880;
	s13 =	simm.s32 $0x7080;
	[smem:$0x7FF] =	sst s2  }
0xa: {  	s14 =	simm.s32 $0x7880;
	_ =	strace $0x80000047;
	[dreg:$0x5] =	wrdreg s18  }
0xb: {  	s15 =	simm.s32 $0x8080;
	s16 =	simm.s32 $0x8880;
	[dreg:$0x6] =	wrdreg s19  }
0xc: {  	s17 =	simm.s32 $0x9080;
	s28 =	simm.s32 $0xE080;
	[dreg:$0x7] =	wrdreg s20  }
0xd: {  	s29 =	simm.s32 $0xE880;
	s30 =	simm.s32 $0xF080;
	[dreg:$0x8] =	wrdreg s22  }
0xe: {  	s31 =	simm.s32 $0xF880;
	s1 =	ssub.s32 $0x2, s1;
	[dreg:$0x9] =	wrdreg s23  }
0xf: {  	s21 =	sshrl.u32 s1, $0x1;
	s5 =	sshrl.u32 s3, $0x3;
	[dreg:$0xa] =	wrdreg s7  }
0x10: {  	s3 =	sshll.u32 s3, $0x7;
	s1 =	ssub.s32 s1, s21;
	[dreg:$0xb] =	wrdreg s24  }
0x11: {  	s21 =	simm.s32 $0xB080;
	s5 =	sadd.s32 s5, s6;
	[dreg:$0xc] =	wrdreg s8  }
0x12: {  	s3 =	sadd.s32 s4, s3;
	s4 =	sadd.s32 $0xD00, s6;
	[dreg:$0xd] =	wrdreg s25  }
0x13: {  	s7 =	smax.u32 s1, $0x1;
	s8 =	simm.s32 $0x2;
	[dreg:$0xe] =	wrdreg s26  }
0x14: {  	s18 =	simm.s32 $0x9880;
	s19 =	simm.s32 $0xA080;
	s20 =	simm.s32 $0xA880  }
0x15: {  	s22 =	simm.s32 $0xB880;
	s23 =	simm.s32 $0xC080;
	s24 =	simm.s32 $0xC880  }
0x16: {  	v2 =	vlaneseq.u32;
	s25 =	simm.s32 $0xD080;
	s26 =	simm.s32 $0xD880;
	s1 =	simm.s32 $0x1  }
0x17: {  	vm0 =	vmmov $0xffff;
	v1 =	vshrl.u32 v2, $0x3;
	s5 =	sadd.s32 $0xA00, s5;
	[dreg:$0x4] =	wrdreg s3;
	s3 =	sadd.s32 $0xC00, s6  }
0x18: {  	v0 =	vand.u32 $0x7, v2;
	v2 =	vor.u32 $0x8, v2;
	v1 =	vmul.u32 $0x8, v1;
	[dreg:$0x3] =	wrdreg s5;
	s5 =	sadd.s32 $0xE00, s6;
	s6 =	sadd.s32 $0xF00, s6  }
.LBB2_1:
0x19: {  	s0 =	rddreg [dreg:$0x3]  }
0x1a: {  	[tilespmem:s2], [sflag:$0x2] =	stream.linear.gather [hbm4b:s0+s2], $0x40, $0x38;
	[tilespmem:$0x10080] =	vst v63  }
0x1b: {  	_ =	swait.ge [sflag:s8], $0x40  }
0x1c: {  	[sflag:s8] =	ssyncset.done $0x0  }
0x1d: {  	[sflag:s8] =	ssyncadd.s32 $0xFFFFFFC0  }
0x1e: {  	v3 =	vld [tilespmem:$0x0];
	_ =	sdelay $0x4  }
0x1f: {  	v4 =	vshll.u32 v3, $0x3  }
0x20: {  	v3 =	vand.u32 $0x7, v3;
	v4 =	vand.u32 $0xFFFFFFC0, v4  }
0x21: {  	v3 =	vor.u32 v3, v4  }
0x22: {  	v4 =	vperm.xlane v3, v0;
	_ =	sdelay $0x1  }
0x23: {  	v4 =	vadd.s32 v1, v4;
	_ =	sdelay $0x4  }
0x24: {  	[tilespmem:s9], [sflag:$0x1] =	stream.indirect_vreg.gather [hbm4b:s3+s2], $0x80, v4, vm0, $0xb8;
	[tilespmem:$0x10080] =	vst v63  }
0x25: {  	s0 =	rddreg [dreg:$0x5];
	v3 =	vperm.xlane v3, v2  }
0x26: {  	[tilespmem:s0], [sflag:$0x1] =	stream.indirect_vreg.gather [hbm4b:s4+s2], $0x80, v4, vm0, $0xb8;
	[tilespmem:$0x10080] =	vst v63  }
0x27: {  	s10 =	rddreg [dreg:$0x6];
	v3 =	vadd.s32 v1, v3  }
0x28: {  	[tilespmem:s10], [sflag:$0x1] =	stream.indirect_vreg.gather [hbm4b:s5+s2], $0x80, v4, vm0, $0xb8;
	[tilespmem:$0x10080] =	vst v63  }
0x29: {  	s0 =	rddreg [dreg:$0x7]  }
0x2a: {  	[tilespmem:s0], [sflag:$0x1] =	stream.indirect_vreg.gather [hbm4b:s6+s2], $0x80, v4, vm0, $0xb8;
	[tilespmem:$0x10080] =	vst v63  }
0x2b: {  	s10 =	rddreg [dreg:$0x8]  }
0x2c: {  	[tilespmem:s10], [sflag:$0x1] =	stream.indirect_vreg.gather [hbm4b:s3+s2], $0x80, v3, vm0, $0xb8;
	[tilespmem:$0x10080] =	vst v63  }
0x2d: {  	s0 =	rddreg [dreg:$0x9]  }
0x2e: {  	[tilespmem:s0], [sflag:$0x1] =	stream.indirect_vreg.gather [hbm4b:s4+s2], $0x80, v3, vm0, $0xb8;
	[tilespmem:$0x10080] =	vst v63  }
0x2f: {  	s10 =	rddreg [dreg:$0xa]  }
0x30: {  	[tilespmem:s10], [sflag:$0x1] =	stream.indirect_vreg.gather [hbm4b:s5+s2], $0x80, v3, vm0, $0xb8;
	[tilespmem:$0x10080] =	vst v63  }
0x31: {  	s0 =	rddreg [dreg:$0xb]  }
0x32: {  	[tilespmem:s0], [sflag:$0x1] =	stream.indirect_vreg.gather [hbm4b:s6+s2], $0x80, v3, vm0, $0xb8;
	[tilespmem:$0x10080] =	vst v63  }
0x33: {  	v3 =	vld [tilespmem:$0x10];
	_ =	sdelay $0x4  }
0x34: {  	v61 =	vshll.u32 v3, $0x3  }
0x35: {  	v3 =	vand.u32 $0x7, v3;
	v4 =	vand.u32 $0xFFFFFFC0, v61  }
0x36: {  	v3 =	vor.u32 v3, v4  }
0x37: {  	v4 =	vperm.xlane v3, v0;
	_ =	sdelay $0x1  }
0x38: {  	v4 =	vadd.s32 v1, v4;
	_ =	sdelay $0x3  }
0x39: {  	s0 =	rddreg [dreg:$0xc]  }
0x3a: {  	[tilespmem:s0], [sflag:$0x1] =	stream.indirect_vreg.gather [hbm4b:s3+s2], $0x80, v4, vm0, $0xb8;
	[tilespmem:$0x10080] =	vst v63  }
0x3b: {  	s10 =	rddreg [dreg:$0xd];
	v3 =	vperm.xlane v3, v2  }
0x3c: {  	[tilespmem:s10], [sflag:$0x1] =	stream.indirect_vreg.gather [hbm4b:s4+s2], $0x80, v4, vm0, $0xb8;
	[tilespmem:$0x10080] =	vst v63  }
0x3d: {  	v3 =	vadd.s32 v1, v3;
	s0 =	rddreg [dreg:$0xe]  }
0x3e: {  	[tilespmem:s0], [sflag:$0x1] =	stream.indirect_vreg.gather [hbm4b:s5+s2], $0x80, v4, vm0, $0xb8;
	[tilespmem:$0x10080] =	vst v63  }
0x3f: {  	s10 =	simm.s32 $0x5880  }
0x40: {  	[tilespmem:s10], [sflag:$0x1] =	stream.indirect_vreg.gather [hbm4b:s6+s2], $0x80, v4, vm0, $0xb8;
	[tilespmem:$0x10080] =	vst v63  }
0x41: {  	_ = 	snop  }
0x42: {  	[tilespmem:s11], [sflag:$0x1] =	stream.indirect_vreg.gather [hbm4b:s3+s2], $0x80, v3, vm0, $0xb8;
	[tilespmem:$0x10080] =	vst v63  }
0x43: {  	_ = 	snop  }
0x44: {  	[tilespmem:s12], [sflag:$0x1] =	stream.indirect_vreg.gather [hbm4b:s4+s2], $0x80, v3, vm0, $0xb8;
	[tilespmem:$0x10080] =	vst v63  }
0x45: {  	_ = 	snop  }
0x46: {  	[tilespmem:s13], [sflag:$0x1] =	stream.indirect_vreg.gather [hbm4b:s5+s2], $0x80, v3, vm0, $0xb8;
	[tilespmem:$0x10080] =	vst v63  }
0x47: {  	_ = 	snop  }
0x48: {  	[tilespmem:s14], [sflag:$0x1] =	stream.indirect_vreg.gather [hbm4b:s6+s2], $0x80, v3, vm0, $0xb8;
	[tilespmem:$0x10080] =	vst v63  }
0x49: {  	v3 =	vld [tilespmem:$0x20];
	_ =	sdelay $0x4  }
0x4a: {  	v62 =	vshll.u32 v3, $0x3  }
0x4b: {  	v3 =	vand.u32 $0x7, v3;
	v4 =	vand.u32 $0xFFFFFFC0, v62  }
0x4c: {  	v3 =	vor.u32 v3, v4  }
0x4d: {  	v4 =	vperm.xlane v3, v0;
	_ =	sdelay $0x1  }
0x4e: {  	v4 =	vadd.s32 v1, v4;
	_ =	sdelay $0x4  }
0x4f: {  	[tilespmem:s15], [sflag:$0x1] =	stream.indirect_vreg.gather [hbm4b:s3+s2], $0x80, v4, vm0, $0xb8;
	[tilespmem:$0x10080] =	vst v63  }
0x50: {  	v3 =	vperm.xlane v3, v2  }
0x51: {  	[tilespmem:s16], [sflag:$0x1] =	stream.indirect_vreg.gather [hbm4b:s4+s2], $0x80, v4, vm0, $0xb8;
	[tilespmem:$0x10080] =	vst v63  }
0x52: {  	v3 =	vadd.s32 v1, v3  }
0x53: {  	[tilespmem:s17], [sflag:$0x1] =	stream.indirect_vreg.gather [hbm4b:s5+s2], $0x80, v4, vm0, $0xb8;
	[tilespmem:$0x10080] =	vst v63  }
0x54: {  	_ = 	snop  }
0x55: {  	[tilespmem:s18], [sflag:$0x1] =	stream.indirect_vreg.gather [hbm4b:s6+s2], $0x80, v4, vm0, $0xb8;
	[tilespmem:$0x10080] =	vst v63  }
0x56: {  	_ = 	snop  }
0x57: {  	[tilespmem:s19], [sflag:$0x1] =	stream.indirect_vreg.gather [hbm4b:s3+s2], $0x80, v3, vm0, $0xb8;
	[tilespmem:$0x10080] =	vst v63  }
0x58: {  	_ = 	snop  }
0x59: {  	[tilespmem:s20], [sflag:$0x1] =	stream.indirect_vreg.gather [hbm4b:s4+s2], $0x80, v3, vm0, $0xb8;
	[tilespmem:$0x10080] =	vst v63  }
0x5a: {  	_ = 	snop  }
0x5b: {  	[tilespmem:s21], [sflag:$0x1] =	stream.indirect_vreg.gather [hbm4b:s5+s2], $0x80, v3, vm0, $0xb8;
	[tilespmem:$0x10080] =	vst v63  }
0x5c: {  	_ = 	snop  }
0x5d: {  	[tilespmem:s22], [sflag:$0x1] =	stream.indirect_vreg.gather [hbm4b:s6+s2], $0x80, v3, vm0, $0xb8;
	[tilespmem:$0x10080] =	vst v63  }
0x5e: {  	v3 =	vld [tilespmem:$0x30];
	_ =	sdelay $0x4  }
0x5f: {  	v63 =	vshll.u32 v3, $0x3  }
0x60: {  	v3 =	vand.u32 $0x7, v3;
	v4 =	vand.u32 $0xFFFFFFC0, v63  }
0x61: {  	v3 =	vor.u32 v3, v4  }
0x62: {  	v4 =	vperm.xlane v3, v0;
	_ =	sdelay $0x1  }
0x63: {  	v4 =	vadd.s32 v1, v4;
	_ =	sdelay $0x4  }
0x64: {  	[tilespmem:s23], [sflag:$0x1] =	stream.indirect_vreg.gather [hbm4b:s3+s2], $0x80, v4, vm0, $0xb8;
	[tilespmem:$0x10080] =	vst v63  }
0x65: {  	v3 =	vperm.xlane v3, v2  }
0x66: {  	[tilespmem:s24], [sflag:$0x1] =	stream.indirect_vreg.gather [hbm4b:s4+s2], $0x80, v4, vm0, $0xb8;
	[tilespmem:$0x10080] =	vst v63  }
0x67: {  	v3 =	vadd.s32 v1, v3  }
0x68: {  	[tilespmem:s25], [sflag:$0x1] =	stream.indirect_vreg.gather [hbm4b:s5+s2], $0x80, v4, vm0, $0xb8;
	[tilespmem:$0x10080] =	vst v63  }
0x69: {  	_ = 	snop  }
0x6a: {  	[tilespmem:s26], [sflag:$0x1] =	stream.indirect_vreg.gather [hbm4b:s6+s2], $0x80, v4, vm0, $0xb8;
	[tilespmem:$0x10080] =	vst v63  }
0x6b: {  	_ = 	snop  }
0x6c: {  	[tilespmem:s28], [sflag:$0x1] =	stream.indirect_vreg.gather [hbm4b:s3+s2], $0x80, v3, vm0, $0xb8;
	[tilespmem:$0x10080] =	vst v63  }
0x6d: {  	_ = 	snop  }
0x6e: {  	[tilespmem:s29], [sflag:$0x1] =	stream.indirect_vreg.gather [hbm4b:s4+s2], $0x80, v3, vm0, $0xb8;
	[tilespmem:$0x10080] =	vst v63  }
0x6f: {  	_ = 	snop  }
0x70: {  	[tilespmem:s30], [sflag:$0x1] =	stream.indirect_vreg.gather [hbm4b:s5+s2], $0x80, v3, vm0, $0xb8;
	[tilespmem:$0x10080] =	vst v63  }
0x71: {  	_ = 	snop  }
0x72: {  	[tilespmem:s31], [sflag:$0x1] =	stream.indirect_vreg.gather [hbm4b:s6+s2], $0x80, v3, vm0, $0xb8;
	[tilespmem:$0x10080] =	vst v63  }
0x73: {  	_ =	swait.ge [sflag:s1], $0x10000  }
0x74: {  	p0 =	sne.s32 s7, $0x1;
	[sflag:s1] =	ssyncset.done $0x0  }
.Ltmp0:
0x75: {  	s10 =	rddreg [dreg:$0x4];
	[sflag:s1] =	ssyncadd.s32 $0xFFFF0000;
	(pc) =	sbr.rel @p0 .LBB2_1-.Ltmp0, $4  }
0x76: {  	[hbm4b:s10+s2] =	stream.linear.scatter [tilespmem:s9], [sflag:$0x2], $0x10000, $0x38;
	[tilespmem:$0x10080] =	vst v63  }
0x77: {  	_ =	swait.ge [sflag:s8], $0x10000  }
0x78: {  	[sflag:s8] =	ssyncset.done $0x0  }
0x79: {  	s7 =	sadd.s32 $0xFFFFFFFF, s7;
	[sflag:s8] =	ssyncadd.s32 $0xFFFF0000  }
0x7a: {  	_ =	sfence.sel $0x180000  }
0x7b: {  	[bflag:$0x0] =	sbarrier.arrive $0xFFFF  }
0x7c: {  	_ =	strace $0x90000047  }
0x7d: {  	s0 =	stileid.u32;
	[bflag:$0x2] =	sbarrier.arrive $0xFFFF  }
0x7e: {  	p0 =	sne.s32 s0, $0x0;
	s0 =	rddreg [dreg:$0x2]  }
0x7f: {  	s0 =	sadd.s32 @!p0 $0x100000, s0  }
0x80: {  	[sflag:s0] =	ssyncadd.tile.s32 @!p0 $0x1;
	_ =	shalt  }
.Lfunc_end2:
_tile_overlayer_lowered:
.L_overlay_start_2:
0x81: {  	(tag) =	ssettag $0x2  }
0x82: {  	s0 =	rddreg [dreg:$0x0];
	s2 =	stileid.u32  }
0x83: {  	s1 =	rddreg [dreg:$0x1];
	p0 =	sne.s32 s2, $0x0  }
0x84: {  	s3 =	rddreg [dreg:$0x2];
	[bflag:$0x3] =	sbarrier.arrive $0xFFFF;
	s2 =	simm.s32 @!p0 $0x1C02  }
0x85: {  	[timem:s3], [sflag:s2] =	dma.local @!p0 [hbm:s0], s1  }
0x86: {  	s0 =	simm.s32 @!p0 $0x2  }
0x87: {  	_ =	swait.ge @!p0 [sflag:s0], s1  }
0x88: {  	s1 =	ssub.s32 @!p0 $0x0, s1;
	[sflag:s0] =	ssyncset.done @!p0 $0x0  }
0x89: {  	[sflag:s0] =	ssyncadd.s32 @!p0 s1  }
0x8a: {  	[bflag:$0x3] =	sbarrier.arrive $0xFFFF  }
0x8b: {  	_ =	shalt  }

</sc_bundles>
